<compile_context>
chip_gen: v7x
topology: tpu7x:2x2x1
jax: 0.10.2.dev20260603
libtpu: 0.0.44.dev20260713+nightly
codegen_flags: <defaults>
</compile_context>

<pallas_src>
import functools

import jax
import jax.numpy as jnp
import numpy as np
from jax import lax
from jax.experimental import pallas as pl
from jax.experimental.pallas import tpu as pltpu
from jax.experimental.pallas import tpu_sc as plsc

NUM_STEPS = 1000
BETA_START = 0.0001
BETA_END = 0.02

_beta = np.linspace(BETA_START, BETA_END, NUM_STEPS, dtype=np.float32)
_alpha_bar = np.cumprod((1.0 - _beta).astype(np.float64))
_SQRT_AB = np.sqrt(_alpha_bar).astype(np.float32)
_SQRT_1MAB = np.sqrt(1.0 - _alpha_bar).astype(np.float32)


def _sc_gather(t, sa_tab, sv_tab):
    b = t.shape[0]
    n_tab = sa_tab.shape[0]
    lanes = 16
    mesh = plsc.VectorSubcoreMesh(core_axis_name="c", subcore_axis_name="s")

    @functools.partial(
        pl.kernel,
        out_type=(
            jax.ShapeDtypeStruct((b,), jnp.float32),
            jax.ShapeDtypeStruct((b,), jnp.float32),
        ),
        mesh=mesh,
        compiler_params=pltpu.CompilerParams(needs_layout_passes=False),
        scratch_types=[
            pltpu.VMEM((b,), jnp.int32),
            pltpu.VMEM((n_tab,), jnp.float32),
            pltpu.VMEM((n_tab,), jnp.float32),
            pltpu.VMEM((b,), jnp.float32),
            pltpu.VMEM((b,), jnp.float32),
        ],
    )
    def k(t_hbm, sa_hbm, sv_hbm, sa_out, sv_out, idx_v, sa_tab_v, sv_tab_v, sa_v, sv_v):
        @pl.when((lax.axis_index("c") == 0) & (lax.axis_index("s") == 0))
        def _():
            pltpu.sync_copy(t_hbm, idx_v)
            pltpu.sync_copy(sa_hbm, sa_tab_v)
            pltpu.sync_copy(sv_hbm, sv_tab_v)
            for g in range(b // lanes):
                ti = idx_v[pl.ds(g * lanes, lanes)]
                sa_v[pl.ds(g * lanes, lanes)] = plsc.load_gather(sa_tab_v, [ti])
                sv_v[pl.ds(g * lanes, lanes)] = plsc.load_gather(sv_tab_v, [ti])
            pltpu.sync_copy(sa_v, sa_out)
            pltpu.sync_copy(sv_v, sv_out)

    return k(t, sa_tab, sv_tab)


def _tc_body_coeff(sa_ref, sv_ref, x_ref, e_ref, o_ref):
    i = pl.program_id(0)
    n = x_ref.shape[0]
    for j in range(n):
        a = sa_ref[i * n + j]
        v = sv_ref[i * n + j]
        o_ref[j] = a * x_ref[j] + v * e_ref[j]


def _tc_fma_coeff(sa, sv, x, e, bs):
    b, c, h, w = x.shape
    grid = (b // bs,)
    blk = pl.BlockSpec((bs, c, h, w), lambda i: (i, 0, 0, 0))
    return pl.pallas_call(
        _tc_body_coeff,
        grid=grid,
        in_specs=[
            pl.BlockSpec(memory_space=pltpu.SMEM),
            pl.BlockSpec(memory_space=pltpu.SMEM),
            blk,
            blk,
        ],
        out_specs=blk,
        out_shape=jax.ShapeDtypeStruct((b, c, h, w), jnp.float32),
        compiler_params=pltpu.CompilerParams(
            dimension_semantics=("parallel",),
        ),
    )(sa, sv, x, e)


def _tc_body(t_ref, sa_ref, sv_ref, x_ref, e_ref, o_ref):
    i = pl.program_id(0)
    n = x_ref.shape[0]
    for j in range(n):
        tt = t_ref[i * n + j]
        a = sa_ref[tt]
        v = sv_ref[tt]
        o_ref[j] = a * x_ref[j] + v * e_ref[j]


def _tc_fma(t, sa_tab, sv_tab, x, e, bs):
    b, c, h, w = x.shape
    grid = (b // bs,)
    blk = pl.BlockSpec((bs, c, h, w), lambda i: (i, 0, 0, 0))
    return pl.pallas_call(
        _tc_body,
        grid=grid,
        in_specs=[
            pl.BlockSpec(memory_space=pltpu.SMEM),
            pl.BlockSpec(memory_space=pltpu.SMEM),
            pl.BlockSpec(memory_space=pltpu.SMEM),
            blk,
            blk,
        ],
        out_specs=blk,
        out_shape=jax.ShapeDtypeStruct((b, c, h, w), jnp.float32),
        compiler_params=pltpu.CompilerParams(
            dimension_semantics=("parallel",),
        ),
    )(t, sa_tab, sv_tab, x, e)


def kernel(x0, t, eps):
    t32 = t.astype(jnp.int32)
    sa_t, sv_t = _sc_gather(t32, jnp.asarray(_SQRT_AB), jnp.asarray(_SQRT_1MAB))
    return _tc_fma_coeff(sa_t, sv_t, x0, eps, bs=1)

# --- scband reference (transcript-rebuilt; emitter-appended) ---
"""Pipeline reference for scband-noise-scheduler-10118942949861 (READ-ONLY COPY).

The authoritative reference and input builder live on the scoring server;
editing this copy changes nothing except your own understanding.
"""

import jax, jax.numpy as jnp
import numpy as np

NUM_STEPS = 1000
BETA_START = 0.0001
BETA_END = 0.02


def setup_inputs(seed: int = 0) -> dict:
    key = jax.random.key(seed)
    k1, k2, k3 = jax.random.split(key, 3)
    x0 = jax.random.normal(k1, (32, 3, 512, 512), dtype=jnp.float32)
    t = jax.random.randint(k2, (32,), 0, NUM_STEPS, dtype=jnp.int64 if jax.config.jax_enable_x64 else jnp.int32)
    eps = jax.random.normal(k3, (32, 3, 512, 512), dtype=jnp.float32)
    return {"x0": x0, "t": t, "eps": eps}


def reference(x0, t, eps):
    # Buffers derived deterministically from init args (as in torch __init__)
    beta = jnp.linspace(BETA_START, BETA_END, NUM_STEPS, dtype=jnp.float32)
    alpha = 1.0 - beta
    alpha_bar = jnp.cumprod(alpha, axis=0)
    # gather per-sample alpha_bar[t], rearrange 'b -> b 1 1 1'
    alpha_bar_t = jnp.take(alpha_bar, t, axis=0)[:, None, None, None]
    mean = jnp.sqrt(alpha_bar_t) * x0
    var = 1.0 - alpha_bar_t
    return mean + jnp.sqrt(var) * eps

if __name__ == "__main__":
    import jax
    _d = setup_inputs()
    print(jax.jit(kernel)(*tuple(_d.values())))

</pallas_src>

<mosaic_0001>
#map = affine_map<(d0, d1) -> (0)>
module attributes {stable_mosaic.version = 14 : i64} {
  func.func @k(%arg0: i32, %arg1: i32, %arg2: memref<32xi32, #tpu.memory_space<hbm>>, %arg3: memref<1000xf32, #tpu.memory_space<hbm>>, %arg4: memref<1000xf32, #tpu.memory_space<hbm>>, %arg5: memref<32xf32, #tpu.memory_space<hbm>>, %arg6: memref<32xf32, #tpu.memory_space<hbm>>, %arg7: memref<32xi32, #tpu.memory_space<vmem>>, %arg8: memref<1000xf32, #tpu.memory_space<vmem>>, %arg9: memref<1000xf32, #tpu.memory_space<vmem>>, %arg10: memref<32xf32, #tpu.memory_space<vmem>>, %arg11: memref<32xf32, #tpu.memory_space<vmem>>) attributes {dimension_semantics = [#tpu.dimension_semantics<core_parallel>, #tpu.dimension_semantics<subcore_parallel>], iteration_bounds = array<i64: 2, 16>, scalar_prefetch = 0 : i64, scratch_operands = 5 : i64, tpu.core_type = #tpu.core_type<sc_vector_subcore>, window_params = [{transform_indices = #map}, {transform_indices = #map}, {transform_indices = #map}, {transform_indices = #map}, {transform_indices = #map}]} {
    %eq3A = arith.constant 0 : i32
    %eq3A_0 = arith.cmpi eq, %arg0, %eq3A : i32
    %eq3A_1 = arith.constant 0 : i32
    %eq3A_2 = arith.cmpi eq, %arg1, %eq3A_1 : i32
    %and3A = arith.andi %eq3A_0, %eq3A_2 : i1
    %convert_element_type3A = arith.extui %and3A : i1 to i32
    %cond3A = arith.constant 0 : i32
    %cond3A_3 = arith.cmpi ne, %convert_element_type3A, %cond3A : i32
    scf.if %cond3A_3 {
      "tpu.region"() ({
        %run_scoped3A = tpu.sem_alloc : memref<!tpu.dma_semaphore, #tpu.memory_space<semaphore_mem>>
        tpu.enqueue_dma source(%arg2 : memref<32xi32, #tpu.memory_space<hbm>>) target(%arg7 : memref<32xi32, #tpu.memory_space<vmem>>) target_semaphore(%run_scoped3A : memref<!tpu.dma_semaphore, #tpu.memory_space<semaphore_mem>>)
        tpu.wait_dma2 semaphore(%run_scoped3A : memref<!tpu.dma_semaphore, #tpu.memory_space<semaphore_mem>>) src(%arg2 : memref<32xi32, #tpu.memory_space<hbm>>) dst(%arg7 : memref<32xi32, #tpu.memory_space<vmem>>)
        tpu.yield
      }) : () -> ()
      "tpu.region"() ({
        %run_scoped3A = tpu.sem_alloc : memref<!tpu.dma_semaphore, #tpu.memory_space<semaphore_mem>>
        tpu.enqueue_dma source(%arg3 : memref<1000xf32, #tpu.memory_space<hbm>>) target(%arg8 : memref<1000xf32, #tpu.memory_space<vmem>>) target_semaphore(%run_scoped3A : memref<!tpu.dma_semaphore, #tpu.memory_space<semaphore_mem>>)
        tpu.wait_dma2 semaphore(%run_scoped3A : memref<!tpu.dma_semaphore, #tpu.memory_space<semaphore_mem>>) src(%arg3 : memref<1000xf32, #tpu.memory_space<hbm>>) dst(%arg8 : memref<1000xf32, #tpu.memory_space<vmem>>)
        tpu.yield
      }) : () -> ()
      "tpu.region"() ({
        %run_scoped3A = tpu.sem_alloc : memref<!tpu.dma_semaphore, #tpu.memory_space<semaphore_mem>>
        tpu.enqueue_dma source(%arg4 : memref<1000xf32, #tpu.memory_space<hbm>>) target(%arg9 : memref<1000xf32, #tpu.memory_space<vmem>>) target_semaphore(%run_scoped3A : memref<!tpu.dma_semaphore, #tpu.memory_space<semaphore_mem>>)
        tpu.wait_dma2 semaphore(%run_scoped3A : memref<!tpu.dma_semaphore, #tpu.memory_space<semaphore_mem>>) src(%arg4 : memref<1000xf32, #tpu.memory_space<hbm>>) dst(%arg9 : memref<1000xf32, #tpu.memory_space<vmem>>)
        tpu.yield
      }) : () -> ()
      %get3A = arith.constant 0 : index
      %get3A_4 = tpu.vector_load %arg7[%get3A] {strides = array<i32>} : memref<32xi32, #tpu.memory_space<vmem>>, vector<16xi32>,
      %gather3A = tpu.vector_load_idx %arg8[%get3A_4] : memref<1000xf32, #tpu.memory_space<vmem>>[vector<16xi32>], vector<16xf32>,
      %swap3A = arith.constant 0 : index
      %swap3A_5 = tpu.vector_load %arg10[%swap3A] {strides = array<i32>} : memref<32xf32, #tpu.memory_space<vmem>>, vector<16xf32>,
      tpu.vector_store %arg10[%swap3A], %gather3A {strides = array<i32>} : memref<32xf32, #tpu.memory_space<vmem>>, vector<16xf32>,
      %gather3A_6 = tpu.vector_load_idx %arg9[%get3A_4] : memref<1000xf32, #tpu.memory_space<vmem>>[vector<16xi32>], vector<16xf32>,
      %swap3A_7 = arith.constant 0 : index
      %swap3A_8 = tpu.vector_load %arg11[%swap3A_7] {strides = array<i32>} : memref<32xf32, #tpu.memory_space<vmem>>, vector<16xf32>,
      tpu.vector_store %arg11[%swap3A_7], %gather3A_6 {strides = array<i32>} : memref<32xf32, #tpu.memory_space<vmem>>, vector<16xf32>,
      %get3A_9 = arith.constant 16 : index
      %get3A_10 = tpu.vector_load %arg7[%get3A_9] {strides = array<i32>} : memref<32xi32, #tpu.memory_space<vmem>>, vector<16xi32>,
      %gather3A_11 = tpu.vector_load_idx %arg8[%get3A_10] : memref<1000xf32, #tpu.memory_space<vmem>>[vector<16xi32>], vector<16xf32>,
      %swap3A_12 = arith.constant 16 : index
      %swap3A_13 = tpu.vector_load %arg10[%swap3A_12] {strides = array<i32>} : memref<32xf32, #tpu.memory_space<vmem>>, vector<16xf32>,
      tpu.vector_store %arg10[%swap3A_12], %gather3A_11 {strides = array<i32>} : memref<32xf32, #tpu.memory_space<vmem>>, vector<16xf32>,
      %gather3A_14 = tpu.vector_load_idx %arg9[%get3A_10] : memref<1000xf32, #tpu.memory_space<vmem>>[vector<16xi32>], vector<16xf32>,
      %swap3A_15 = arith.constant 16 : index
      %swap3A_16 = tpu.vector_load %arg11[%swap3A_15] {strides = array<i32>} : memref<32xf32, #tpu.memory_space<vmem>>, vector<16xf32>,
      tpu.vector_store %arg11[%swap3A_15], %gather3A_14 {strides = array<i32>} : memref<32xf32, #tpu.memory_space<vmem>>, vector<16xf32>,
      "tpu.region"() ({
        %run_scoped3A = tpu.sem_alloc : memref<!tpu.dma_semaphore, #tpu.memory_space<semaphore_mem>>
        tpu.enqueue_dma source(%arg10 : memref<32xf32, #tpu.memory_space<vmem>>) target(%arg5 : memref<32xf32, #tpu.memory_space<hbm>>) target_semaphore(%run_scoped3A : memref<!tpu.dma_semaphore, #tpu.memory_space<semaphore_mem>>)
        tpu.wait_dma2 semaphore(%run_scoped3A : memref<!tpu.dma_semaphore, #tpu.memory_space<semaphore_mem>>) src(%arg10 : memref<32xf32, #tpu.memory_space<vmem>>) dst(%arg5 : memref<32xf32, #tpu.memory_space<hbm>>)
        tpu.yield
      }) : () -> ()
      "tpu.region"() ({
        %run_scoped3A = tpu.sem_alloc : memref<!tpu.dma_semaphore, #tpu.memory_space<semaphore_mem>>
        tpu.enqueue_dma source(%arg11 : memref<32xf32, #tpu.memory_space<vmem>>) target(%arg6 : memref<32xf32, #tpu.memory_space<hbm>>) target_semaphore(%run_scoped3A : memref<!tpu.dma_semaphore, #tpu.memory_space<semaphore_mem>>)
        tpu.wait_dma2 semaphore(%run_scoped3A : memref<!tpu.dma_semaphore, #tpu.memory_space<semaphore_mem>>) src(%arg11 : memref<32xf32, #tpu.memory_space<vmem>>) dst(%arg6 : memref<32xf32, #tpu.memory_space<hbm>>)
        tpu.yield
      }) : () -> ()
    } else {
    }
    return
  }
}

module attributes {stable_mosaic.version = 14 : i64} {
  func.func @_tc_body_coeff(%arg0: i32, %arg1: memref<32xf32, #tpu.memory_space<smem>>, %arg2: memref<32xf32, #tpu.memory_space<smem>>, %arg3: memref<1x3x512x512xf32, #tpu.memory_space<vmem>>, %arg4: memref<1x3x512x512xf32, #tpu.memory_space<vmem>>, %arg5: memref<1x3x512x512xf32, #tpu.memory_space<vmem>>) attributes {dimension_semantics = [#tpu.dimension_semantics<parallel>], iteration_bounds = array<i64: 32>, scalar_prefetch = 0 : i64, scratch_operands = 0 : i64, tpu.core_type = #tpu.core_type<tc>, window_params = [{transform_indices = @transform_0, window_bounds = array<i64: 32>}, {transform_indices = @transform_1, window_bounds = array<i64: 32>}, {transform_indices = @transform_2, window_bounds = array<i64: 1, 3, 512, 512>}, {transform_indices = @transform_3, window_bounds = array<i64: 1, 3, 512, 512>}, {transform_indices = @transform_4, window_bounds = array<i64: 1, 3, 512, 512>}]} {
    %mul3A = arith.constant 1 : i32
    %mul3A_0 = arith.muli %arg0, %mul3A : i32
    %add3A = arith.constant 0 : i32
    %add3A_1 = arith.addi %mul3A_0, %add3A : i32
    %get3A = arith.index_cast %add3A_1 : i32 to index
    %get3A_2 = memref.load %arg1[%get3A] : memref<32xf32, #tpu.memory_space<smem>>
    %mul3A_3 = arith.constant 1 : i32
    %mul3A_4 = arith.muli %arg0, %mul3A_3 : i32
    %add3A_5 = arith.constant 0 : i32
    %add3A_6 = arith.addi %mul3A_4, %add3A_5 : i32
    %get3A_7 = arith.index_cast %add3A_6 : i32 to index
    %get3A_8 = memref.load %arg2[%get3A_7] : memref<32xf32, #tpu.memory_space<smem>>
    %get3A_9 = arith.constant 0 : index
    %get3A_10 = arith.constant 0 : index
    %get3A_11 = arith.constant 0 : index
    %get3A_12 = arith.constant 0 : index
    %get3A_13 = vector.load %arg3[%get3A_9, %get3A_10, %get3A_11, %get3A_12] : memref<1x3x512x512xf32, #tpu.memory_space<vmem>>, vector<1x3x512x512xf32>
    %get3A_14 = vector.shape_cast %get3A_13 : vector<1x3x512x512xf32> to vector<3x512x512xf32>
    %mul3A_15 = vector.broadcast %get3A_2 : f32 to vector<3x512x512xf32>
    %mul3A_16 = arith.mulf %mul3A_15, %get3A_14 : vector<3x512x512xf32>
    %get3A_17 = arith.constant 0 : index
    %get3A_18 = arith.constant 0 : index
    %get3A_19 = arith.constant 0 : index
    %get3A_20 = arith.constant 0 : index
    %get3A_21 = vector.load %arg4[%get3A_17, %get3A_18, %get3A_19, %get3A_20] : memref<1x3x512x512xf32, #tpu.memory_space<vmem>>, vector<1x3x512x512xf32>
    %get3A_22 = vector.shape_cast %get3A_21 : vector<1x3x512x512xf32> to vector<3x512x512xf32>
    %mul3A_23 = vector.broadcast %get3A_8 : f32 to vector<3x512x512xf32>
    %mul3A_24 = arith.mulf %mul3A_23, %get3A_22 : vector<3x512x512xf32>
    %add3A_25 = arith.addf %mul3A_16, %mul3A_24 : vector<3x512x512xf32>
    %swap3A = arith.constant 0 : index
    %swap3A_26 = arith.constant 0 : index
    %swap3A_27 = arith.constant 0 : index
    %swap3A_28 = arith.constant 0 : index
    %swap3A_29 = vector.load %arg5[%swap3A, %swap3A_26, %swap3A_27, %swap3A_28] : memref<1x3x512x512xf32, #tpu.memory_space<vmem>>, vector<1x3x512x512xf32>
    %swap3A_30 = vector.shape_cast %swap3A_29 : vector<1x3x512x512xf32> to vector<3x512x512xf32>
    %swap3A_31 = vector.shape_cast %add3A_25 : vector<3x512x512xf32> to vector<1x3x512x512xf32>
    tpu.vector_store %arg5[%swap3A, %swap3A_26, %swap3A_27, %swap3A_28], %swap3A_31 {strides = array<i32>} : memref<1x3x512x512xf32, #tpu.memory_space<vmem>>, vector<1x3x512x512xf32>,
    return
  }
  func.func @transform_0(%arg0: i32) -> i32 {
    %c0_i32 = arith.constant 0 : i32
    %c0_i32_0 = arith.constant 0 : i32
    return %c0_i32 : i32
  }
  func.func @transform_1(%arg0: i32) -> i32 {
    %c0_i32 = arith.constant 0 : i32
    %c0_i32_0 = arith.constant 0 : i32
    return %c0_i32 : i32
  }
  func.func @transform_2(%arg0: i32) -> (i32, i32, i32, i32) {
    %c0_i32 = arith.constant 0 : i32
    %c0_i32_0 = arith.constant 0 : i32
    %c0_i32_1 = arith.constant 0 : i32
    %c0_i32_2 = arith.constant 0 : i32
    return %arg0, %c0_i32, %c0_i32_0, %c0_i32_1 : i32, i32, i32, i32
  }
  func.func @transform_3(%arg0: i32) -> (i32, i32, i32, i32) {
    %c0_i32 = arith.constant 0 : i32
    %c0_i32_0 = arith.constant 0 : i32
    %c0_i32_1 = arith.constant 0 : i32
    %c0_i32_2 = arith.constant 0 : i32
    return %arg0, %c0_i32, %c0_i32_0, %c0_i32_1 : i32, i32, i32, i32
  }
  func.func @transform_4(%arg0: i32) -> (i32, i32, i32, i32) {
    %c0_i32 = arith.constant 0 : i32
    %c0_i32_0 = arith.constant 0 : i32
    %c0_i32_1 = arith.constant 0 : i32
    %c0_i32_2 = arith.constant 0 : i32
    return %arg0, %c0_i32, %c0_i32_0, %c0_i32_1 : i32, i32, i32, i32
  }
}

</mosaic_0001>

<sc_bundles>
// kernel: kernel.4.cloned.1.call-start
scs
__scs_entry_jumppad:
0x0: {  	(pc) =	sbr.rel $0x88, $3  }
0x1: {  	(tag) =	ssettag $0x0;
	lr =	simm.s32 $0x1  }
0x2: {  	[smem:$0x3F9E] =	sst lr;
	_ =	strace $0xD0000000  }
0x3: {  	_ = 	snop  }
0x4: {  	_ = 	snop  }
0x5: {  	_ = 	snop  }
0x6: {  	_ = 	snop  }
0x7: {  	_ = 	snop  }
__scs_overlays_trampoline_lowered:
0x8: {  	[smem:$0x3FAD] =	sst s0  }
0x9: {  	[smem:$0x3FAE] =	sst s1  }
0xa: {  	[smem:$0x3FAF] =	sst s2  }
0xb: {  	[smem:$0x3FB0] =	sst s3  }
0xc: {  	[smem:$0x3FB1] =	sst s4  }
0xd: {  	[smem:$0x3FB2] =	sst s5  }
0xe: {  	[smem:$0x3FB3] =	sst s6  }
0xf: {  	[smem:$0x3FB4] =	sst s7  }
0x10: {  	[smem:$0x3FB5] =	sst s8  }
0x11: {  	[smem:$0x3FB6] =	sst s9;
	s0 =	simm.s32 @!p0 $0x0  }
0x12: {  	s1 =	sld [smem:$0x3F9C];
	s0 =	simm.s32 @p0 $0x1  }
0x13: {  	[smem:$0x3FB7] =	sst s0;
	s0 =	simm.s32 @!p1 $0x0  }
0x14: {  	s2 =	sld [smem:$0x3F9B];
	s0 =	simm.s32 @p1 $0x1  }
0x15: {  	[smem:$0x3FB8] =	sst s0;
	s0 =	simm.s32 @!p2 $0x0  }
0x16: {  	s3 =	sld [smem:$0x3FDB];
	s0 =	simm.s32 @p2 $0x1  }
0x17: {  	s4 =	simm.s32 $0x1BF5;
	[smem:$0x3FBA] =	sst s0  }
0x18: {  	s0 =	sld [smem:$0x3F9D];
	_ =	swait.ge [sflag:s4], $0x0  }
0x19: {  	s7 =	sld [smem:$0x3F9E]  }
0x1a: {  	s8 =	sadd.s32 $0xFFFFE003, lr  }
0x1b: {  	s9 =	sadd.s32 $0xFFFFFEF7, lr;
	s5 =	simm.s32 $0xFFFFFFFF;
	p2 =	slt.u32 s8, $0xFFFFF086  }
0x1c: {  	p1 =	slt.u32 s9, $0xF7A;
	s5 =	simm.s32 @!p2 $0x0  }
0x1d: {  	s5 =	simm.s32 @p1 $0x1;
	p0 =	seq.s32 s7, s2  }
0x1e: {  	s7 =	smul.u32 @!p0 $0xF7A, s2;
	p2 =	seq.s32 @!p0 s5, $0x0  }
0x1f: {  	s9 =	smul.u32 $0xF7A, s1;
	s8 =	simm.s32 @!p0 $0x1BF5;
	p2 =	por !p2, p0  }
0x20: {  	[sflag:s8] =	ssyncset.s32 @!p0 $0xFFFFF086;
	s6 =	sadd.s32 @!p0 s3, s7;
	s7 =	simm.s32 @!p0 $0x108  }
0x21: {  	s3 =	sadd.s32 s3, s9;
	s6 =	sadd.s32 @!p0 $0x88, s6;
	s7 =	simm.s32 @p2 $0x1082  }
0x22: {  	[simem:s7], [sflag:s8] =	dma.local @!p0 [hbm:s6], $0xF7A  }
0x23: {  	s9 =	sor.u32 $0xD0000000, s2;
	s6 =	simm.s32 $0x108;
	_ =	swait.ge @!p0 [sflag:s8], $0x0  }
0x24: {  	s3 =	sadd.s32 $0x88, s3;
	s6 =	simm.s32 @!p1 $0x1082;
	[sflag:s4] =	ssyncset.s32 $0xFFFFF086  }
0x25: {  	[simem:s6], [sflag:s4] =	dma.local [hbm:s3], $0xF7A  }
0x26: {  	[smem:$0x3F9E] =	sst s1;
	(tag) =	ssettag s2;
	_ =	strace s9  }
0x27: {  	s1 =	sld [smem:$0x3FAE]  }
0x28: {  	s2 =	sld [smem:$0x3FAF]  }
0x29: {  	s4 =	sld [smem:$0x3FB1]  }
0x2a: {  	p0 =	seq.s32 s5, $0x0;
	s5 =	sld [smem:$0x3FB2]  }
0x2b: {  	s6 =	sld [smem:$0x3FB3]  }
0x2c: {  	s7 =	sld [smem:$0x3FB4]  }
0x2d: {  	s3 =	simm.s32 $0x108;
	s8 =	sld [smem:$0x3FB5]  }
0x2e: {  	s3 =	simm.s32 @!p0 $0x1082;
	s9 =	sld [smem:$0x3FB6]  }
0x2f: {  	lr =	sadd.s32 s0, s3;
	s0 =	sld [smem:$0x3FAD]  }
0x30: {  	s3 =	sld [smem:$0x3FB0]  }
0x31: {  	[smem:$0x3FB9] =	sst s10  }
0x32: {  	s10 =	sld [smem:$0x3FB7];
	_ =	sdelay $0x3  }
0x33: {  	p0 =	seq.s32 s10, $0x1;
	s10 =	sld [smem:$0x3FB9];
	_ =	sdelay $0x3  }
0x34: {  	[smem:$0x3FB9] =	sst s10  }
0x35: {  	s10 =	sld [smem:$0x3FB8];
	_ =	sdelay $0x3  }
0x36: {  	p1 =	seq.s32 s10, $0x1;
	s10 =	sld [smem:$0x3FB9];
	_ =	sdelay $0x3  }
0x37: {  	[smem:$0x3FB9] =	sst s10  }
0x38: {  	s10 =	sld [smem:$0x3FBA]  }
0x39: {  	_ = 	snop;
	(pc) =	sbr.ind lr, $3  }
0x3a: {  	_ = 	snop  }
0x3b: {  	_ = 	snop  }
0x3c: {  	p2 =	seq.s32 s10, $0x1;
	s10 =	sld [smem:$0x3FB9]  }
0x3d: {  	_ =	shalt  }
0x3e: {  	_ =	shalt  }
0x3f: {  	_ =	shalt  }
0x40: {  	_ =	shalt  }
0x41: {  	_ =	shalt  }
0x42: {  	_ =	shalt  }
0x43: {  	_ =	shalt  }
0x44: {  	_ =	shalt  }
0x45: {  	_ =	shalt  }
0x46: {  	_ =	shalt  }
0x47: {  	_ =	shalt  }
0x48: {  	_ =	shalt  }
0x49: {  	_ =	shalt  }
0x4a: {  	_ =	shalt  }
0x4b: {  	_ =	shalt  }
0x4c: {  	_ =	shalt  }
0x4d: {  	_ =	shalt  }
0x4e: {  	_ =	shalt  }
0x4f: {  	_ =	shalt  }
0x50: {  	_ =	shalt  }
0x51: {  	_ =	shalt  }
0x52: {  	_ =	shalt  }
0x53: {  	_ =	shalt  }
0x54: {  	_ =	shalt  }
0x55: {  	_ =	shalt  }
0x56: {  	_ =	shalt  }
0x57: {  	_ =	shalt  }
0x58: {  	_ =	shalt  }
0x59: {  	_ =	shalt  }
0x5a: {  	_ =	shalt  }
0x5b: {  	_ =	shalt  }
0x5c: {  	_ =	shalt  }
0x5d: {  	_ =	shalt  }
0x5e: {  	_ =	shalt  }
0x5f: {  	_ =	shalt  }
0x60: {  	_ =	shalt  }
0x61: {  	_ =	shalt  }
0x62: {  	_ =	shalt  }
0x63: {  	_ =	shalt  }
0x64: {  	_ =	shalt  }
0x65: {  	_ =	shalt  }
0x66: {  	_ =	shalt  }
0x67: {  	_ =	shalt  }
0x68: {  	_ =	shalt  }
0x69: {  	_ =	shalt  }
0x6a: {  	_ =	shalt  }
0x6b: {  	_ =	shalt  }
0x6c: {  	_ =	shalt  }
0x6d: {  	_ =	shalt  }
0x6e: {  	_ =	shalt  }
0x6f: {  	_ =	shalt  }
0x70: {  	_ =	shalt  }
0x71: {  	_ =	shalt  }
0x72: {  	_ =	shalt  }
0x73: {  	_ =	shalt  }
0x74: {  	_ =	shalt  }
0x75: {  	_ =	shalt  }
0x76: {  	_ =	shalt  }
0x77: {  	_ =	shalt  }
0x78: {  	_ =	shalt  }
0x79: {  	_ =	shalt  }
0x7a: {  	_ =	shalt  }
0x7b: {  	_ =	shalt  }
0x7c: {  	_ =	shalt  }
0x7d: {  	_ =	shalt  }
0x7e: {  	_ =	shalt  }
0x7f: {  	_ =	shalt  }
0x80: {  	_ =	shalt  }
0x81: {  	_ =	shalt  }
0x82: {  	_ =	shalt  }
0x83: {  	_ =	shalt  }
0x84: {  	_ =	shalt  }
0x85: {  	_ =	shalt  }
0x86: {  	_ =	shalt  }
0x87: {  	_ =	shalt  }
.Lfunc_end0:
.L_simem_size_0:
called_computation_lowered:
.L_overlay_start_0:
0x88: {  	s2 =	sld [smem:$0x3FD9]  }
0x89: {  	s3 =	sld [smem:$0x3FFE];
	_ =	sdelay $0x1  }
0x8a: {  	s1 =	srdreg.scid  }
0x8b: {  	s0 =	sand.u32 $0x1, s1  }
0x8c: {  	s17 =	sshll.u32 s0, $0xA;
	s2 =	sadd.s32 s3, s2  }
0x8d: {  	s2 =	sadd.s32 s2, s17  }
0x8e: {  	[smem:$0x3FC5] =	sst s2  }
0x8f: {  	_ = 	snop  }
0x90: {  	s2 =	sld [smem:$0x3FC8]  }
0x91: {  	s18 =	sld [smem:$0x3FD0];
	(tm) =	ssettm $0x1  }
0x92: {  	s4 =	sld [smem:$0x3FFB];
	_ =	sdelay $0x3  }
0x93: {  	_ =	strace s4  }
0x94: {  	s4 =	sld [smem:$0x3FFC];
	_ =	sdelay $0x3  }
0x95: {  	_ =	strace s4  }
0x96: {  	s4 =	sld [smem:$0x3FFD];
	_ =	sdelay $0x3  }
0x97: {  	_ =	strace s4  }
0x98: {  	_ =	strace $0x8FFFFFFF  }
0x99: {  	s19 =	sld [smem:$0x3FDB];
	_ =	sdelay $0x1  }
0x9a: {  	s5 =	simm.s32 $_scs_section_size  }
0x9b: {  	s6 =	simm.s32 $_size__tile_overlayer_lowered;
	s7 =	simm.s32 $_tile_overlayer_lowered  }
0x9c: {  	s22 =	simm.s32 $0x1BFF;
	s21 =	sshll.u32 s7, $0x1;
	s4 =	sadd.s32 s5, s19  }
0x9d: {  	s8 =	simm.s32 $0x0;
	s20 =	sshll.u32 s6, $0x1;
	s6 =	sadd.s32 s21, s4  }
0x9e: {  	[timem:s8], [sflag:s22] =	dma.local [hbm:s6], s20  }
0x9f: {  	_ =	swait.ge [sflag:s22], s20  }
0xa0: {  	s5 =	ssub.s32 $0x0, s20;
	[sflag:s22] =	ssyncset.done $0x0  }
0xa1: {  	[sflag:s22] =	ssyncadd.s32 s5;
	_ =	sdelay $0x1  }
0xa2: {  	s23 =	simm.s32 $0x1B8B  }
0xa3: {  	_ =	swait.ge [sflag:s23], $0x1  }
0xa4: {  	[sflag:s23] =	ssyncset.done $0x0  }
0xa5: {  	s25 =	simm.s32 $0x1B8E;
	s24 =	sld [smem:$0x3FFE];
	[sflag:s23] =	ssyncadd.s32 $0xFFFFFFFF  }
0xa6: {  	s26 =	simm.s32 $execute0_lowered;
	[smem:$0x3FD2] =	sst s25  }
0xa7: {  	s6 =	sshll.u32 s26, $0x1;
	_ =	strace $0x80000046;
	[dreg:$0x1] =	wrdreg $0xFFFFFFFF  }
0xa8: {  	s28 =	simm.s32 $_size_execute0_lowered;
	s4 =	sadd.s32 s4, s6;
	[dreg:$0x0] =	wrdreg $0x0  }
0xa9: {  	s6 =	sshll.u32 s28, $0x1;
	[dreg:$0x2] =	wrdreg s4  }
0xaa: {  	[dreg:$0x3] =	wrdreg s6  }
0xab: {  	[dreg:$0x4] =	wrdreg $0xC0  }
0xac: {  	_ =	task [dreg:s8], $0x5FFFF  }
0xad: {  	[dreg:$0x1] =	wrdreg $0xFFFFFFFF  }
0xae: {  	[dreg:$0x0] =	wrdreg $0x60  }
0xaf: {  	[dreg:$0x2] =	wrdreg s2  }
0xb0: {  	[dreg:$0x3] =	wrdreg s18  }
0xb1: {  	[dreg:$0x4] =	wrdreg s24  }
0xb2: {  	[dreg:$0x5] =	wrdreg $0x9  }
0xb3: {  	_ =	task.clear_ibuf [dreg:s8], $0x6FFFF;
	_ =	strace $0x90000046  }
0xb4: {  	s29 =	simm.s32 $0x9;
	_ =	strace $0x80000048  }
0xb5: {  	_ =	swait.ge [sflag:s29], $0x1  }
0xb6: {  	[sflag:s29] =	ssyncadd.s32 $0xFFFFFFFF  }
0xb7: {  	_ =	strace $0x90000048  }
0xb8: {  	_ =	sfence  }
0xb9: {  	s30 =	sld [smem:$0x0];
	_ =	sdelay $0x2  }
0xba: {  	s31 =	sshll.u32 s1, $0xD;
	s1 =	sshrl.u32 s1, $0x2  }
0xbb: {  	s3 =	sand.u32 $0x4000, s31;
	s1 =	sadd.s32 s1, s30  }
0xbc: {  	s0 =	sor.u32 s3, s0;
	s1 =	sshll.u32 s1, $0x11  }
0xbd: {  	s0 =	sor.u32 s1, s0  }
0xbe: {  	s0 =	sadd.s32 $0x8F2B, s0  }
0xbf: {  	[sflag:s0] =	ssyncadd.remote.s32 $0x1  }
0xc0: {  	_ =	sfence.sel $0xFFFF  }
0xc1: {  	[dreg:$0x0] =	wrdreg $0xFFFFFFFF;
	(pc) =	sbr.abs _section_cstart, $3  }
0xc2: {  	[dreg:$0x1] =	wrdreg $0xFFFFFFFF  }
0xc3: {  	_ =	task.clear_ibuf [dreg:s8], $0x2FFFF;
	_ =	strace $0x9FFFFFFF  }
0xc4: {  	(tm) =	ssettm $0x7FFFFFFF  }
0xc5: {  	_ =	shalt  }
tec
execute0_lowered:
.L_overlay_start_1:
0x0: {  	(tag) =	ssettag $0x1  }
0x1: {  	s0 =	srdreg.scid  }
0x2: {  	s12 =	sand.u32 $0x1, s0;
	s0 =	stileid.u32  }
0x3: {  	s4 =	sor.u32 s0, s12  }
0x4: {  	p0 =	sne.s32 s4, $0x0  }
.Ltmp0:
0x5: {  	_ = 	snop;
	(pc) =	sbr.rel @p0 .LBB2_4-.Ltmp0, $4  }
0x6: {  	s2 =	rddreg [dreg:$0x0]  }
0x7: {  	s3 =	rddreg [dreg:$0x1]  }
0x8: {  	s11 =	rddreg [dreg:$0x2]  }
0x9: {  	s1 =	rddreg [dreg:$0x3];
	_ =	strace $0x80000047  }
0xa: {  	s5 =	simm.s32 $0x0;
	s4 =	simm.s32 $0x1  }
0xb: {  	[tilespmem:s5], [sflag:$0x1] =	stream.linear.gather [hbm4b:s2+s5], $0x80, $0x38;
	[tilespmem:$0x980] =	vst v63  }
0xc: {  	_ =	swait.ge [sflag:s4], $0x80  }
0xd: {  	[sflag:s4] =	ssyncset.done $0x0  }
0xe: {  	s6 =	simm.s32 $0x80;
	[sflag:s4] =	ssyncadd.s32 $0xFFFFFF80  }
0xf: {  	[tilespmem:s6], [sflag:$0x1] =	stream.linear.gather [hbm4b:s3+s5], $0x400, $0x38;
	[tilespmem:$0x980] =	vst v63  }
0x10: {  	_ =	swait.ge [sflag:s4], $0x400  }
0x11: {  	[sflag:s4] =	ssyncset.done $0x0  }
0x12: {  	s7 =	sadd.s32 $0xC00, s11;
	s8 =	simm.s32 $0x480;
	[sflag:s4] =	ssyncadd.s32 $0xFFFFFC00  }
0x13: {  	[tilespmem:s8], [sflag:$0x1] =	stream.linear.gather [hbm4b:s7+s5], $0x400, $0x38;
	[tilespmem:$0x980] =	vst v63  }
0x14: {  	_ =	swait.ge [sflag:s4], $0x400  }
0x15: {  	[sflag:s4] =	ssyncset.done $0x0  }
0x16: {  	[sflag:s4] =	ssyncadd.s32 $0xFFFFFC00  }
0x17: {  	v0 =	vld [tilespmem:$0x0];
	_ =	sdelay $0x7  }
0x18: {  	v1 =	vld.idx.msk [tilespmem:v0+s6+$0x0], $0xffff;
	_ =	sdelay $0x3  }
0x19: {  	v2 =	vld [tilespmem:$0x10]  }
0x1a: {  	[tilespmem:$0x880] =	vst v1  }
0x1b: {  	v0 =	vld.idx.msk [tilespmem:v0+s8+$0x0], $0xffff;
	_ =	sdelay $0x4  }
0x1c: {  	[tilespmem:$0x900] =	vst v0  }
0x1d: {  	v0 =	vld.idx.msk [tilespmem:v2+s6+$0x0], $0xffff;
	_ =	sdelay $0x4  }
0x1e: {  	[tilespmem:$0x890] =	vst v0  }
0x1f: {  	v0 =	vld.idx.msk [tilespmem:v2+s8+$0x0], $0xffff;
	_ =	sdelay $0x2  }
0x20: {  	s12 =	ssub.s32 $0x2, s12  }
0x21: {  	s13 =	sshrl.u32 s12, $0x1  }
0x22: {  	s9 =	sadd.s32 $0xE00, s11;
	s10 =	simm.s32 $0x880;
	s13 =	ssub.s32 s12, s13;
	[tilespmem:$0x910] =	vst v0  }
0x23: {  	[hbm4b:s9+s5] =	stream.linear.scatter [tilespmem:s10], [sflag:$0x1], $0x80, $0x38;
	[tilespmem:$0x980] =	vst v63  }
0x24: {  	p0 =	sne.s32 s13, $0x1;
	_ =	swait.ge [sflag:s4], $0x80  }
.Ltmp1:
0x25: {  	[sflag:s4] =	ssyncset.done $0x0;
	(pc) =	sbr.rel @!p0 .LBB2_3-.Ltmp1, $4  }
0x26: {  	s11 =	sadd.s32 $0x1000, s11;
	s12 =	simm.s32 $0x900;
	[sflag:s4] =	ssyncadd.s32 $0xFFFFFF80  }
0x27: {  	[hbm4b:s11+s5] =	stream.linear.scatter [tilespmem:s12], [sflag:$0x1], $0x80, $0x38;
	[tilespmem:$0x980] =	vst v63  }
0x28: {  	_ =	swait.ge [sflag:s4], $0x80  }
0x29: {  	s13 =	sadd.s32 $0xFFFFFFFF, s13;
	[sflag:s4] =	ssyncset.done $0x0  }
.LBB2_2:
0x2a: {  	p0 =	sne.s32 s13, $0x1;
	s13 =	sadd.s32 $0xFFFFFFFF, s13;
	[sflag:s4] =	ssyncadd.s32 $0xFFFFFF80  }
0x2b: {  	[tilespmem:s5], [sflag:$0x1] =	stream.linear.gather [hbm4b:s2+s5], $0x80, $0x38;
	[tilespmem:$0x980] =	vst v63  }
0x2c: {  	_ =	swait.ge [sflag:s4], $0x80  }
0x2d: {  	[sflag:s4] =	ssyncset.done $0x0  }
0x2e: {  	[sflag:s4] =	ssyncadd.s32 $0xFFFFFF80  }
0x2f: {  	[tilespmem:s6], [sflag:$0x1] =	stream.linear.gather [hbm4b:s3+s5], $0x400, $0x38;
	[tilespmem:$0x980] =	vst v63  }
0x30: {  	_ =	swait.ge [sflag:s4], $0x400  }
0x31: {  	[sflag:s4] =	ssyncset.done $0x0  }
0x32: {  	[sflag:s4] =	ssyncadd.s32 $0xFFFFFC00  }
0x33: {  	[tilespmem:s8], [sflag:$0x1] =	stream.linear.gather [hbm4b:s7+s5], $0x400, $0x38;
	[tilespmem:$0x980] =	vst v63  }
0x34: {  	_ =	swait.ge [sflag:s4], $0x400  }
0x35: {  	[sflag:s4] =	ssyncset.done $0x0  }
0x36: {  	[sflag:s4] =	ssyncadd.s32 $0xFFFFFC00  }
0x37: {  	v0 =	vld [tilespmem:$0x0];
	_ =	sdelay $0x7  }
0x38: {  	v1 =	vld.idx.msk [tilespmem:v0+s6+$0x0], $0xffff;
	_ =	sdelay $0x5  }
0x39: {  	[tilespmem:$0x880] =	vst v1;
	v1 =	vld [tilespmem:$0x10]  }
0x3a: {  	v0 =	vld.idx.msk [tilespmem:v0+s8+$0x0], $0xffff;
	_ =	sdelay $0x5  }
0x3b: {  	[tilespmem:$0x900] =	vst v0  }
0x3c: {  	v0 =	vld.idx.msk [tilespmem:v1+s6+$0x0], $0xffff;
	_ =	sdelay $0x5  }
0x3d: {  	[tilespmem:$0x890] =	vst v0  }
0x3e: {  	v0 =	vld.idx.msk [tilespmem:v1+s8+$0x0], $0xffff;
	_ =	sdelay $0x5  }
0x3f: {  	[tilespmem:$0x910] =	vst v0  }
0x40: {  	[hbm4b:s9+s5] =	stream.linear.scatter [tilespmem:s10], [sflag:$0x1], $0x80, $0x38;
	[tilespmem:$0x980] =	vst v63  }
0x41: {  	_ =	swait.ge [sflag:s4], $0x80  }
.Ltmp2:
0x42: {  	[sflag:s4] =	ssyncset.done $0x0;
	(pc) =	sbr.rel @p0 .LBB2_2-.Ltmp2, $4  }
0x43: {  	[sflag:s4] =	ssyncadd.s32 $0xFFFFFF80  }
0x44: {  	[hbm4b:s11+s5] =	stream.linear.scatter [tilespmem:s12], [sflag:$0x1], $0x80, $0x38;
	[tilespmem:$0x980] =	vst v63  }
0x45: {  	_ =	swait.ge [sflag:s4], $0x80  }
0x46: {  	[sflag:s4] =	ssyncset.done $0x0  }
.LBB2_3:
0x47: {  	[sflag:s4] =	ssyncadd.s32 $0xFFFFFF80  }
.LBB2_4:
0x48: {  	_ =	sfence.sel $0x180000  }
0x49: {  	[bflag:$0x0] =	sbarrier.arrive $0xFFFF  }
0x4a: {  	p0 =	sne.s32 s0, $0x0;
	_ =	strace $0x90000047  }
0x4b: {  	s0 =	sadd.s32 @!p0 $0x100000, s1;
	[bflag:$0x2] =	sbarrier.arrive $0xFFFF  }
0x4c: {  	[sflag:s0] =	ssyncadd.tile.s32 @!p0 $0x1;
	_ =	shalt  }
.Lfunc_end2:
_tile_overlayer_lowered:
.L_overlay_start_2:
0x4d: {  	(tag) =	ssettag $0x2  }
0x4e: {  	s0 =	rddreg [dreg:$0x0];
	s2 =	stileid.u32  }
0x4f: {  	s1 =	rddreg [dreg:$0x1];
	p0 =	sne.s32 s2, $0x0  }
0x50: {  	s3 =	rddreg [dreg:$0x2];
	[bflag:$0x3] =	sbarrier.arrive $0xFFFF;
	s2 =	simm.s32 @!p0 $0x1C01  }
0x51: {  	[timem:s3], [sflag:s2] =	dma.local @!p0 [hbm:s0], s1  }
0x52: {  	s0 =	simm.s32 @!p0 $0x1  }
0x53: {  	_ =	swait.ge @!p0 [sflag:s0], s1  }
0x54: {  	s1 =	ssub.s32 @!p0 $0x0, s1;
	[sflag:s0] =	ssyncset.done @!p0 $0x0  }
0x55: {  	[sflag:s0] =	ssyncadd.s32 @!p0 s1  }
0x56: {  	[bflag:$0x3] =	sbarrier.arrive $0xFFFF  }
0x57: {  	_ =	shalt  }

</sc_bundles>
